<compile_context>
chip_gen: v7x
topology: tpu7x:2x2x1
jax: 0.10.2.dev20260603
libtpu: 0.0.44.dev20260713+nightly
codegen_flags: <defaults>
</compile_context>

<pallas_src>
import functools

import jax
import jax.numpy as jnp
from jax import lax
from jax.experimental import pallas as pl
from jax.experimental.pallas import tpu as pltpu
from jax.experimental.pallas import tpu_sc as plsc

_N = 10000
_E = 160000
_DIN = 128
_D = 16
_B = 64
_PASSES = 4
_STEPS = 5

_NC = 2
_NS = 16
_NW = _NC * _NS
_EW = _E // _NW
_CH = 128
_NCHUNK = 40
_EWP = _CH * _NCHUNK
_EP = _NW * _EWP
_NRS = 632
_NACC = _NRS * _NS

_F32 = jnp.float32
def _dot(a, b):
    return jnp.dot(a, b, preferred_element_type=_F32)


def _bn_pack(g, beta, m, v):
    return jnp.stack([m, jnp.sqrt(v + 1e-5), g, beta])


def _bn_apply(y, bn):
    return (y - bn[0:1, :]) / bn[1:2, :] * bn[2:3, :] + bn[3:4, :]


def _pad_edges(a):
    a = a.reshape((_NW, _EW) + a.shape[1:])
    pad = [(0, 0), (0, _EWP - _EW)] + [(0, 0)] * (a.ndim - 2)
    return jnp.pad(a, pad).reshape((_EP,) + a.shape[2:])


def _pad_edges8(a):
    a8 = a.reshape(_NW, _EW // 8, 8 * _D)
    return jnp.pad(a8, ((0, 0), (0, (_EWP - _EW) // 8), (0, 0))
                   ).reshape(_EP // 8, 8 * _D)



def _sc_mesh():
    return plsc.VectorSubcoreMesh(core_axis_name="c", subcore_axis_name="s",
                                  num_cores=_NC, num_subcores=_NS)


_SC_PARAMS = pltpu.CompilerParams(use_tc_tiling_on_sc=False)


@jax.jit
def _sc_gather(h, srcp):
    nch = srcp.shape[1]
    ewp = nch * _CH

    @functools.partial(
        pl.kernel,
        out_type=jax.ShapeDtypeStruct((_NW * ewp, _D), _F32),
        mesh=_sc_mesh(),
        compiler_params=_SC_PARAMS,
        scratch_types=[
            pltpu.VMEM((nch, _CH), jnp.int32),
            pltpu.VMEM((ewp, _D), _F32),
            pltpu.SemaphoreType.DMA,
        ],
    )
    def k(h_hbm, src_hbm, out_hbm, idx_v, rows_v, sem):
        w = lax.axis_index("s") * _NC + lax.axis_index("c")
        base = w * ewp
        pltpu.sync_copy(src_hbm.at[w], idx_v)

        def fire(j, _):
            pltpu.async_copy(h_hbm.at[idx_v.at[j]],
                             rows_v.at[pl.ds(j * _CH, _CH)], sem)
            return 0

        lax.fori_loop(0, nch, fire, 0)

        def drain(j, _):
            pltpu.make_async_copy(h_hbm.at[idx_v.at[j]],
                                  rows_v.at[pl.ds(j * _CH, _CH)],
                                  sem).wait()
            return 0

        lax.fori_loop(0, nch, drain, 0)
        pltpu.sync_copy(rows_v, out_hbm.at[pl.ds(base, ewp)])

    return k(h, srcp)


@jax.jit
def _sc_scatter(msg, dstp):
    nch = dstp.shape[1]
    ewp = nch * _CH

    @functools.partial(
        pl.kernel,
        out_type=jax.ShapeDtypeStruct((_NC, _NACC, _D), _F32),
        mesh=_sc_mesh(),
        compiler_params=_SC_PARAMS,
        scratch_types=[
            pltpu.VMEM_SHARED((_NACC, _D), _F32),
            pltpu.VMEM((_NRS, _D), _F32),
            pltpu.VMEM((nch, _CH), jnp.int32),
            pltpu.VMEM((ewp, _D), _F32),
            pltpu.SemaphoreType.DMA,
        ],
    )
    def k(msg_hbm, dst_hbm, out_hbm, acc_sh, stage_v, idx_v, val_v, sem):
        c = lax.axis_index("c")
        s = lax.axis_index("s")
        base = (c * _NS + s) * ewp

        def zrow(i, _):
            stage_v[i, :] = jnp.zeros((_D,), _F32)
            return 0

        lax.fori_loop(0, _NRS, zrow, 0)
        pltpu.sync_copy(stage_v, acc_sh.at[pl.ds(s * _NRS, _NRS)])
        plsc.subcore_barrier()

        pltpu.sync_copy(dst_hbm.at[c * _NS + s], idx_v)
        pltpu.sync_copy(msg_hbm.at[pl.ds(base, ewp)], val_v)

        def fire(j, _):
            pltpu.async_copy(val_v.at[pl.ds(j * _CH, _CH)],
                             acc_sh.at[idx_v.at[j]], sem, add=True)
            return 0

        lax.fori_loop(0, nch, fire, 0)

        def drain(j, _):
            pltpu.make_async_copy(val_v.at[pl.ds(j * _CH, _CH)],
                                  acc_sh.at[idx_v.at[j]], sem).wait()
            return 0

        lax.fori_loop(0, nch, drain, 0)
        plsc.subcore_barrier()
        pltpu.sync_copy(acc_sh.at[pl.ds(s * _NRS, _NRS)],
                        out_hbm.at[c, pl.ds(s * _NRS, _NRS)])

    return k(msg, dstp)



def _enc_body(x_ref, d0_ref, d1_ref, w_ref, b_ref, bn_ref, h_ref, dg_ref):
    y = _dot(x_ref[...], w_ref[...]) + b_ref[...]
    h_ref[...] = jnp.maximum(_bn_apply(y, bn_ref[...]), 0.0)
    dg_ref[...] = jnp.maximum(d0_ref[...] + d1_ref[...], 1.0)


@jax.jit
def _encoder(x, d0, d1, w0, b0, bn0):
    nb = 5
    blk = _N // nb
    return pl.pallas_call(
        _enc_body,
        grid=(nb,),
        in_specs=[
            pl.BlockSpec((blk, _DIN), lambda i: (i, 0)),
            pl.BlockSpec((blk, _D), lambda i: (i, 0)),
            pl.BlockSpec((blk, _D), lambda i: (i, 0)),
            pl.BlockSpec((_DIN, _D), lambda i: (0, 0)),
            pl.BlockSpec((1, _D), lambda i: (0, 0)),
            pl.BlockSpec((4, _D), lambda i: (0, 0)),
        ],
        out_specs=[
            pl.BlockSpec((blk, _D), lambda i: (i, 0)),
            pl.BlockSpec((blk, _D), lambda i: (i, 0)),
        ],
        out_shape=[
            jax.ShapeDtypeStruct((_N, _D), _F32),
            jax.ShapeDtypeStruct((_N, _D), _F32),
        ],
    )(x, d0, d1, w0, b0, bn0)


def _msg_body(ea_ref, xs_ref, w1_ref, b1_ref, bn1_ref, w2_ref, b2_ref,
              r_ref, f_ref, msg_ref):
    y = _dot(ea_ref[...], w1_ref[...]) + b1_ref[...]
    e2 = jnp.maximum(_bn_apply(y, bn1_ref[...]), 0.0)
    we = _dot(e2, w2_ref[...]) + b2_ref[...]
    xrep = jnp.dot(xs_ref[...], r_ref[...], preferred_element_type=_F32,
                   precision=lax.Precision.HIGHEST)
    msg_ref[...] = jnp.dot(xrep * we, f_ref[...],
                           preferred_element_type=_F32,
                           precision=lax.Precision.HIGHEST)


@jax.jit
def _msg(ea8, xs8, w18, b18, bn18, w28, b28, r8, f8):
    be8 = 512
    nb = ea8.shape[0] // be8
    return pl.pallas_call(
        _msg_body,
        grid=(nb,),
        in_specs=[
            pl.BlockSpec((be8, 128), lambda i: (i, 0)),
            pl.BlockSpec((be8, 128), lambda i: (i, 0)),
            pl.BlockSpec((128, 256), lambda i: (0, 0)),
            pl.BlockSpec((1, 256), lambda i: (0, 0)),
            pl.BlockSpec((4, 256), lambda i: (0, 0)),
            pl.BlockSpec((256, 2048), lambda i: (0, 0)),
            pl.BlockSpec((1, 2048), lambda i: (0, 0)),
            pl.BlockSpec((128, 2048), lambda i: (0, 0)),
            pl.BlockSpec((2048, 128), lambda i: (0, 0)),
        ],
        out_specs=pl.BlockSpec((be8, 128), lambda i: (i, 0)),
        out_shape=jax.ShapeDtypeStruct(ea8.shape, _F32),
    )(ea8, xs8, w18, b18, bn18, w28, b28, r8, f8)


def _upd_body(a0_ref, a1_ref, a2_ref, a3_ref, dg_ref, h_ref, root_ref,
              cb_ref, wi_ref, wh_ref, bi_ref, bh_ref, out_ref):
    h = h_ref[...]
    agg = (a0_ref[...] + a1_ref[...] + a2_ref[...] + a3_ref[...]) \
        / dg_ref[...]
    conv = agg + _dot(h, root_ref[...]) + cb_ref[...]
    m = jnp.maximum(conv, 0.0)
    gi = _dot(m, wi_ref[...]) + bi_ref[...]
    gh = _dot(h, wh_ref[...]) + bh_ref[...]
    r = jax.nn.sigmoid(gi[:, :_D] + gh[:, :_D])
    z = jax.nn.sigmoid(gi[:, _D:2 * _D] + gh[:, _D:2 * _D])
    n = jnp.tanh(gi[:, 2 * _D:] + r * gh[:, 2 * _D:])
    out_ref[...] = (1.0 - z) * n + z * h


@jax.jit
def _update(a0, a1, a2, a3, deg, h, root, cb, wi, wh, bi, bh):
    nb = 5
    blk = _N // nb
    return pl.pallas_call(
        _upd_body,
        grid=(nb,),
        in_specs=[
            pl.BlockSpec((blk, _D), lambda i: (i, 0)),
            pl.BlockSpec((blk, _D), lambda i: (i, 0)),
            pl.BlockSpec((blk, _D), lambda i: (i, 0)),
            pl.BlockSpec((blk, _D), lambda i: (i, 0)),
            pl.BlockSpec((blk, _D), lambda i: (i, 0)),
            pl.BlockSpec((blk, _D), lambda i: (i, 0)),
            pl.BlockSpec((_D, _D), lambda i: (0, 0)),
            pl.BlockSpec((1, _D), lambda i: (0, 0)),
            pl.BlockSpec((_D, 3 * _D), lambda i: (0, 0)),
            pl.BlockSpec((_D, 3 * _D), lambda i: (0, 0)),
            pl.BlockSpec((1, 3 * _D), lambda i: (0, 0)),
            pl.BlockSpec((1, 3 * _D), lambda i: (0, 0)),
        ],
        out_specs=pl.BlockSpec((blk, _D), lambda i: (i, 0)),
        out_shape=jax.ShapeDtypeStruct((_N, _D), _F32),
    )(a0, a1, a2, a3, deg, h, root, cb, wi, wh, bi, bh)


_SBLK = 5000
_SNB = _N // _SBLK


def _s2s_body(h_ref, b_ref, lwi_ref, lwh_ref, lb_ref, f1_ref, g1_ref,
              bnf1_ref, f2_ref, g2_ref, bnf2_ref, f3_ref, g3_ref, bnf3_ref,
              fo_ref, go_ref, out_ref, ener_ref):
    cols = lax.broadcasted_iota(jnp.int32, (_SBLK, _B), 1)

    def load(i):
        hb = h_ref[pl.ds(i * _SBLK, _SBLK), :]
        bb = b_ref[pl.ds(i * _SBLK, _SBLK), :]
        return hb, (bb == cols).astype(_F32)

    def step(_, carry):
        qh, qc, q_star = carry
        gates = (_dot(q_star, lwi_ref[...]) + lb_ref[0:1, :]
                 + _dot(qh, lwh_ref[...]) + lb_ref[1:2, :])
        g_i = jax.nn.sigmoid(gates[:, :_D])
        g_f = jax.nn.sigmoid(gates[:, _D:2 * _D])
        g_g = jnp.tanh(gates[:, 2 * _D:3 * _D])
        g_o = jax.nn.sigmoid(gates[:, 3 * _D:])
        qc = g_f * qc + g_i * g_g
        qh = g_o * jnp.tanh(qc)
        q = qh

        def sweep1(i, em):
            hb, mask = load(i)
            qb = jnp.dot(mask, q, preferred_element_type=_F32,
                         precision=lax.Precision.HIGHEST)
            ener = jnp.sum(hb * qb, axis=1, keepdims=True)
            ener_ref[pl.ds(i * _SBLK, _SBLK), :] = ener
            masked = jnp.where(mask > 0.0, ener, -1e30)
            return jnp.maximum(em, jnp.max(masked, axis=0, keepdims=True))

        em = lax.fori_loop(0, _SNB, sweep1, jnp.full((1, _B), -1e30, _F32))

        def sweep2(i, asum):
            _, mask = load(i)
            ener = ener_ref[pl.ds(i * _SBLK, _SBLK), :]
            emaxn = jnp.sum(mask * em, axis=1, keepdims=True)
            a = jnp.exp(ener - emaxn)
            return asum + jnp.sum(mask * a, axis=0, keepdims=True)

        asum = lax.fori_loop(0, _SNB, sweep2, jnp.zeros((1, _B), _F32))

        def sweep3(i, u):
            hb, mask = load(i)
            ener = ener_ref[pl.ds(i * _SBLK, _SBLK), :]
            emaxn = jnp.sum(mask * em, axis=1, keepdims=True)
            a = jnp.exp(ener - emaxn)
            asumn = jnp.sum(mask * asum, axis=1, keepdims=True)
            a = a / (asumn + 1e-16)
            return u + lax.dot_general(
                mask, a * hb, (((0,), (0,)), ((), ())),
                preferred_element_type=_F32,
                precision=lax.Precision.HIGHEST)

        u = lax.fori_loop(0, _SNB, sweep3, jnp.zeros((_B, _D), _F32))
        q_star = jnp.concatenate([q, u], axis=1)
        return qh, qc, q_star

    init = (jnp.zeros((_B, _D), _F32), jnp.zeros((_B, _D), _F32),
            jnp.zeros((_B, 2 * _D), _F32))
    _, _, q_star = lax.fori_loop(0, _STEPS, step, init)

    o = jnp.maximum(_bn_apply(_dot(q_star, f1_ref[...]) + g1_ref[...],
                              bnf1_ref[...]), 0.0)
    o = jnp.maximum(_bn_apply(_dot(o, f2_ref[...]) + g2_ref[...],
                              bnf2_ref[...]), 0.0)
    o = jnp.maximum(_bn_apply(_dot(o, f3_ref[...]) + g3_ref[...],
                              bnf3_ref[...]), 0.0)
    out_ref[...] = _dot(o, fo_ref[...]) + go_ref[...]


@jax.jit
def _s2s_head(h, bcol, lwi, lwh, lb, f1, g1, bnf1, f2, g2, bnf2,
              f3, g3, bnf3, fo, go):
    return pl.pallas_call(
        _s2s_body,
        out_shape=jax.ShapeDtypeStruct((_B, 1), _F32),
        scratch_shapes=[pltpu.VMEM((_N, 1), _F32)],
    )(h, bcol, lwi, lwh, lb, f1, g1, bnf1, f2, g2, bnf2, f3, g3, bnf3,
      fo, go)



def kernel(x, edge_attr, params, edge_index, batch):
    p = params

    bn0 = _bn_pack(p["node_bn0_g"], p["node_bn0_b"], p["node_bn0_m"],
                   p["node_bn0_v"])
    bn1 = _bn_pack(p["edge_bn1_g"], p["edge_bn1_b"], p["edge_bn1_m"],
                   p["edge_bn1_v"])
    bnf1 = _bn_pack(p["fc1_bn_g"], p["fc1_bn_b"], p["fc1_bn_m"],
                    p["fc1_bn_v"])
    bnf2 = _bn_pack(p["fc2_bn_g"], p["fc2_bn_b"], p["fc2_bn_m"],
                    p["fc2_bn_v"])
    bnf3 = _bn_pack(p["fc3_bn_g"], p["fc3_bn_b"], p["fc3_bn_m"],
                    p["fc3_bn_v"])

    rmat = jnp.repeat(jnp.eye(_D, dtype=_F32), _D, axis=1)
    fmat = jnp.tile(jnp.eye(_D, dtype=_F32), (_D, 1))
    eye8 = jnp.eye(8, dtype=_F32)
    w18 = jnp.kron(eye8, p["edge_lin1_w"])
    w28 = jnp.kron(eye8, p["edge_lin2_w"])
    r8 = jnp.kron(eye8, rmat)
    f8 = jnp.kron(eye8, fmat)
    b18 = jnp.tile(p["edge_lin1_b"], 8)[None, :]
    b28 = jnp.tile(p["edge_lin2_b"], 8)[None, :]
    bn18 = jnp.tile(bn1, (1, 8))

    src = edge_index[0].astype(jnp.int32)
    dst = edge_index[1].astype(jnp.int32)
    emask = _pad_edges(jnp.ones((_E,), jnp.int32)) > 0
    srcp = jnp.where(emask, _pad_edges(src), _N).reshape(_NW, _NCHUNK, _CH)
    dstp = jnp.where(emask, _pad_edges(dst), _N).reshape(_NW, _NCHUNK, _CH)
    ea8 = _pad_edges8(edge_attr)
    ones8 = _pad_edges8(jnp.ones((_E, _D), _F32))

    nh = _NCHUNK // 2
    srcpA, srcpB = srcp[:, :nh], srcp[:, nh:]
    dstpA, dstpB = dstp[:, :nh], dstp[:, nh:]
    ea3 = ea8.reshape(_NW, _EWP // 8, 8 * _D)
    eaA = ea3[:, :_EWP // 16].reshape(_EP // 16, 8 * _D)
    eaB = ea3[:, _EWP // 16:].reshape(_EP // 16, 8 * _D)

    degp = _sc_scatter(ones8.reshape(_EP, _D), dstp)
    d0 = degp[0, :_N]
    d1 = degp[1, :_N]

    h, deg = _encoder(x, d0, d1, p["node_lin0_w"],
                      p["node_lin0_b"][None, :], bn0)

    lb = jnp.stack([p["lstm_bi"], p["lstm_bh"]])
    cb = p["conv_bias"][None, :]
    bi = p["gru_bi"][None, :]
    bh = p["gru_bh"][None, :]

    for _ in range(_PASSES):
        hpad = jnp.concatenate([h, jnp.zeros((_NS, _D), _F32)], axis=0)
        xsA = _sc_gather(hpad, srcpA)
        xsB = _sc_gather(hpad, srcpB)
        msgA = _msg(eaA, xsA.reshape(_EP // 16, 8 * _D), w18, b18, bn18,
                    w28, b28, r8, f8)
        msgB = _msg(eaB, xsB.reshape(_EP // 16, 8 * _D), w18, b18, bn18,
                    w28, b28, r8, f8)
        apA = _sc_scatter(msgA.reshape(_EP // 2, _D), dstpA)
        apB = _sc_scatter(msgB.reshape(_EP // 2, _D), dstpB)
        h = _update(apA[0, :_N], apA[1, :_N], apB[0, :_N], apB[1, :_N],
                    deg, h, p["conv_root"], cb, p["gru_wi"], p["gru_wh"],
                    bi, bh)

    out = _s2s_head(h, batch.astype(jnp.int32)[:, None], p["lstm_wi"],
                    p["lstm_wh"], lb, p["fc1_w"], p["fc1_b"][None, :], bnf1,
                    p["fc2_w"], p["fc2_b"][None, :], bnf2,
                    p["fc3_w"], p["fc3_b"][None, :], bnf3,
                    p["fco_w"], p["fco_b"][None, :])
    return out.reshape(-1)

# --- scband reference (transcript-rebuilt; emitter-appended) ---
"""Pipeline reference for scband-graph-net-83305185673623 (READ-ONLY COPY).

The authoritative reference and input builder live on the scoring server;
editing this copy changes nothing except your own understanding.
"""

import jax, jax.numpy as jnp
import numpy as np

N = 10000
E = 160000
D_IN = 128
D = 16
D_EDGE = 16
B = 64
PASSES = 4
STEPS = 5

def _bn(x, g, b, m, v):
    return (x - m) / jnp.sqrt(v + 1e-5) * g + b

def setup_inputs(seed: int = 0):
    key = jax.random.key(seed)
    ks = jax.random.split(key, 24)
    def w(k, i, o):
        return jax.random.normal(k, (i, o), jnp.float32) * 0.05
    x = jax.random.normal(ks[0], (N, D_IN), jnp.float32)
    edge_index = jax.random.randint(ks[1], (2, E), 0, N)
    edge_attr = jax.random.normal(ks[2], (E, D_EDGE), jnp.float32)
    batch = jnp.sort(jax.random.randint(ks[3], (N,), 0, B))
    params = {
        "node_lin0_w": w(ks[4], D_IN, D), "node_lin0_b": jnp.zeros((D,), jnp.float32),
        "node_bn0_g": jnp.ones((D,), jnp.float32), "node_bn0_b": jnp.zeros((D,), jnp.float32),
        "node_bn0_m": jnp.zeros((D,), jnp.float32), "node_bn0_v": jnp.ones((D,), jnp.float32),
        "edge_lin1_w": w(ks[5], D_EDGE, 32), "edge_lin1_b": jnp.zeros((32,), jnp.float32),
        "edge_bn1_g": jnp.ones((32,), jnp.float32), "edge_bn1_b": jnp.zeros((32,), jnp.float32),
        "edge_bn1_m": jnp.zeros((32,), jnp.float32), "edge_bn1_v": jnp.ones((32,), jnp.float32),
        "edge_lin2_w": w(ks[6], 32, D * D), "edge_lin2_b": jnp.zeros((D * D,), jnp.float32),
        "conv_root": w(ks[7], D, D), "conv_bias": jnp.zeros((D,), jnp.float32),
        "gru_wi": w(ks[8], D, 3 * D), "gru_wh": w(ks[9], D, 3 * D),
        "gru_bi": jnp.zeros((3 * D,), jnp.float32), "gru_bh": jnp.zeros((3 * D,), jnp.float32),
        "lstm_wi": w(ks[10], 2 * D, 4 * D), "lstm_wh": w(ks[11], D, 4 * D),
        "lstm_bi": jnp.zeros((4 * D,), jnp.float32), "lstm_bh": jnp.zeros((4 * D,), jnp.float32),
        "fc1_w": w(ks[12], 2 * D, 256), "fc1_b": jnp.zeros((256,), jnp.float32),
        "fc1_bn_g": jnp.ones((256,), jnp.float32), "fc1_bn_b": jnp.zeros((256,), jnp.float32),
        "fc1_bn_m": jnp.zeros((256,), jnp.float32), "fc1_bn_v": jnp.ones((256,), jnp.float32),
        "fc2_w": w(ks[13], 256, 128), "fc2_b": jnp.zeros((128,), jnp.float32),
        "fc2_bn_g": jnp.ones((128,), jnp.float32), "fc2_bn_b": jnp.zeros((128,), jnp.float32),
        "fc2_bn_m": jnp.zeros((128,), jnp.float32), "fc2_bn_v": jnp.ones((128,), jnp.float32),
        "fc3_w": w(ks[14], 128, 32), "fc3_b": jnp.zeros((32,), jnp.float32),
        "fc3_bn_g": jnp.ones((32,), jnp.float32), "fc3_bn_b": jnp.zeros((32,), jnp.float32),
        "fc3_bn_m": jnp.zeros((32,), jnp.float32), "fc3_bn_v": jnp.ones((32,), jnp.float32),
        "fco_w": w(ks[15], 32, 1), "fco_b": jnp.zeros((1,), jnp.float32),
    }
    return {"x": x, "edge_attr": edge_attr, "params": params,
            "edge_index": edge_index, "batch": batch}

def _forward(x, edge_attr, params, edge_index, batch):
    p = params
    h = jax.nn.relu(_bn(x @ p["node_lin0_w"] + p["node_lin0_b"],
                        p["node_bn0_g"], p["node_bn0_b"], p["node_bn0_m"], p["node_bn0_v"]))
    src = edge_index[0]
    dst = edge_index[1]
    # edge-conditioned weights (NNConv edge_nn): Linear -> BN -> ReLU -> Linear(D*D)
    e = jax.nn.relu(_bn(edge_attr @ p["edge_lin1_w"] + p["edge_lin1_b"],
                        p["edge_bn1_g"], p["edge_bn1_b"], p["edge_bn1_m"], p["edge_bn1_v"]))
    w_e = (e @ p["edge_lin2_w"] + p["edge_lin2_b"]).reshape(E, D, D)
    deg = jnp.clip(jax.ops.segment_sum(jnp.ones((E,), jnp.float32), dst, num_segments=N), 1.0, None)
    xout = h
    hidden = h
    for _ in range(PASSES):
        msg = jnp.einsum("ei,eio->eo", xout[src], w_e)
        agg = jax.ops.segment_sum(msg, dst, num_segments=N) / deg[:, None]
        conv = agg + xout @ p["conv_root"] + p["conv_bias"]
        m = jax.nn.relu(conv)
        # GRU step (torch gate order: r, z, n)
        gi = m @ p["gru_wi"] + p["gru_bi"]
        gh = hidden @ p["gru_wh"] + p["gru_bh"]
        i_r, i_z, i_n = jnp.split(gi, 3, axis=-1)
        h_r, h_z, h_n = jnp.split(gh, 3, axis=-1)
        r = jax.nn.sigmoid(i_r + h_r)
        z = jax.nn.sigmoid(i_z + h_z)
        n = jnp.tanh(i_n + r * h_n)
        hidden = (1.0 - z) * n + z * hidden
        xout = hidden
        # dropout is a no-op in eval mode
    # Set2Set pooling
    qh = jnp.zeros((B, D), jnp.float32)
    qc = jnp.zeros((B, D), jnp.float32)
    q_star = jnp.zeros((B, 2 * D), jnp.float32)
    for _ in range(STEPS):
        gates = q_star @ p["lstm_wi"] + p["lstm_bi"] + qh @ p["lstm_wh"] + p["lstm_bh"]
        g_i, g_f, g_g, g_o = jnp.split(gates, 4, axis=-1)
        g_i = jax.nn.sigmoid(g_i)
        g_f = jax.nn.sigmoid(g_f)
        g_g = jnp.tanh(g_g)
        g_o = jax.nn.sigmoid(g_o)
        qc = g_f * qc + g_i * g_g
        qh = g_o * jnp.tanh(qc)
        q = qh
        ener = jnp.sum(xout * q[batch], axis=-1)
        emax = jax.ops.segment_max(ener, batch, num_segments=B)
        emax = jnp.where(jnp.isfinite(emax), emax, 0.0)
        a = jnp.exp(ener - emax[batch])
        asum = jax.ops.segment_sum(a, batch, num_segments=B)
        a = a / (asum[batch] + 1e-16)
        r_read = jax.ops.segment_sum(a[:, None] * xout, batch, num_segments=B)
        q_star = jnp.concatenate([q, r_read], axis=-1)
    out = q_star
    out = jax.nn.relu(_bn(out @ p["fc1_w"] + p["fc1_b"], p["fc1_bn_g"], p["fc1_bn_b"], p["fc1_bn_m"], p["fc1_bn_v"]))
    out = jax.nn.relu(_bn(out @ p["fc2_w"] + p["fc2_b"], p["fc2_bn_g"], p["fc2_bn_b"], p["fc2_bn_m"], p["fc2_bn_v"]))
    out = jax.nn.relu(_bn(out @ p["fc3_w"] + p["fc3_b"], p["fc3_bn_g"], p["fc3_bn_b"], p["fc3_bn_m"], p["fc3_bn_v"]))
    out = out @ p["fco_w"] + p["fco_b"]
    return out.reshape(-1)

def reference(x, edge_attr, params, edge_index, batch):
    return _forward(x, edge_attr, params, edge_index, batch)

if __name__ == "__main__":
    import jax
    _d = setup_inputs()
    print(jax.jit(kernel)(*tuple(_d.values())))

</pallas_src>

<mosaic_0001>
#map = affine_map<(d0, d1) -> (0, 0)>
#map1 = affine_map<(d0, d1) -> (0, 0, 0)>
module attributes {stable_mosaic.version = 14 : i64} {
  func.func @k(%arg0: i32, %arg1: i32, %arg2: memref<163840x16xf32, #tpu.memory_space<hbm>>, %arg3: memref<32x40x128xi32, #tpu.memory_space<hbm>>, %arg4: memref<2x10112x16xf32, #tpu.memory_space<hbm>>, %arg5: memref<10112x16xf32, #tpu.memory_space<vmem_shared>>, %arg6: memref<632x16xf32, #tpu.memory_space<vmem>>, %arg7: memref<40x128xi32, #tpu.memory_space<vmem>>, %arg8: memref<5120x16xf32, #tpu.memory_space<vmem>>, %arg9: memref<!tpu.dma_semaphore, #tpu.memory_space<semaphore_mem>>) attributes {dimension_semantics = [#tpu.dimension_semantics<core_parallel>, #tpu.dimension_semantics<subcore_parallel>], iteration_bounds = array<i64: 2, 16>, scalar_prefetch = 0 : i64, scratch_operands = 5 : i64, tpu.core_type = #tpu.core_type<sc_vector_subcore>, window_params = [{transform_indices = #map}, {transform_indices = #map1}, {transform_indices = #map1}]} {
    %mul3A = arith.constant 16 : i32
    %mul3A_0 = arith.muli %arg0, %mul3A : i32
    %add3A = arith.addi %mul3A_0, %arg1 : i32
    %mul3A_1 = arith.constant 5120 : i32
    %mul3A_2 = arith.muli %add3A, %mul3A_1 : i32
    %scan3A = arith.constant 0 : i32
    %scan3A_3 = arith.constant 0 : i32
    %scan3A_4 = arith.constant 632 : i32
    %scan3A_5 = arith.addi %scan3A_3, %scan3A_4 : i32
    %scan3A_6 = arith.constant 1 : i32
    %scan3A_7 = scf.for %scan3A_33 = %scan3A_3 to %scan3A_5 step %scan3A_6 iter_args(%scan3A_34 = %scan3A) -> (i32)  : i32 {
      %broadcast_in_dim3A = arith.constant 0.000000e+00 : f32
      %broadcast_in_dim3A_35 = vector.broadcast %broadcast_in_dim3A : f32 to vector<16xf32>
      %swap3A = arith.index_cast %scan3A_33 : i32 to index
      %swap3A_36 = arith.constant 0 : index
      %swap3A_37 = tpu.vector_load %arg6[%swap3A, %swap3A_36] {strides = array<i32>} : memref<632x16xf32, #tpu.memory_space<vmem>>, vector<1x16xf32>,
      %swap3A_38 = vector.shape_cast %swap3A_37 : vector<1x16xf32> to vector<16xf32>
      %swap3A_39 = vector.shape_cast %broadcast_in_dim3A_35 : vector<16xf32> to vector<1x16xf32>
      tpu.vector_store %arg6[%swap3A, %swap3A_36], %swap3A_39 {strides = array<i32>} : memref<632x16xf32, #tpu.memory_space<vmem>>, vector<1x16xf32>,
      %scan3A_40 = arith.constant 0 : i32
      scf.yield %scan3A_40 : i32
    }
    %scan3A_8 = arith.constant 632 : i32
    %mul3A_9 = arith.constant 632 : i32
    %mul3A_10 = arith.muli %arg1, %mul3A_9 : i32
    "tpu.region"() ({
      %run_scoped3A = tpu.sem_alloc : memref<!tpu.dma_semaphore, #tpu.memory_space<semaphore_mem>>
      %dma_start3A = arith.constant 0 : i32
      %dma_start3A_33 = tpu.memref_slice %arg5[%mul3A_10, %dma_start3A] : memref<10112x16xf32, #tpu.memory_space<vmem_shared>> -> memref<632x16xf32, #tpu.memory_space<vmem_shared>>
      %dma_start3A_34 = arith.constant 0 : i32
      %dma_start3A_35 = tpu.memref_slice %arg5[%mul3A_10, %dma_start3A_34] : memref<10112x16xf32, #tpu.memory_space<vmem_shared>> -> memref<632x16xf32, #tpu.memory_space<vmem_shared>>
      tpu.enqueue_dma source(%arg6 : memref<632x16xf32, #tpu.memory_space<vmem>>) target(%dma_start3A_35 : memref<632x16xf32, #tpu.memory_space<vmem_shared>>) target_semaphore(%run_scoped3A : memref<!tpu.dma_semaphore, #tpu.memory_space<semaphore_mem>>)
      %dma_wait3A = arith.constant 0 : i32
      %dma_wait3A_36 = tpu.memref_slice %arg5[%mul3A_10, %dma_wait3A] : memref<10112x16xf32, #tpu.memory_space<vmem_shared>> -> memref<632x16xf32, #tpu.memory_space<vmem_shared>>
      %dma_wait3A_37 = arith.constant 0 : i32
      %dma_wait3A_38 = tpu.memref_slice %arg5[%mul3A_10, %dma_wait3A_37] : memref<10112x16xf32, #tpu.memory_space<vmem_shared>> -> memref<632x16xf32, #tpu.memory_space<vmem_shared>>
      tpu.wait_dma2 semaphore(%run_scoped3A : memref<!tpu.dma_semaphore, #tpu.memory_space<semaphore_mem>>) src(%arg6 : memref<632x16xf32, #tpu.memory_space<vmem>>) dst(%dma_wait3A_38 : memref<632x16xf32, #tpu.memory_space<vmem_shared>>)
      tpu.yield
    }) : () -> ()
    %barrier3A = arith.constant 0 : index
    tpu.barrier barrier_id(%barrier3A)
    %mul3A_11 = arith.constant 16 : i32
    %mul3A_12 = arith.muli %arg0, %mul3A_11 : i32
    %add3A_13 = arith.addi %mul3A_12, %arg1 : i32
    "tpu.region"() ({
      %run_scoped3A = tpu.sem_alloc : memref<!tpu.dma_semaphore, #tpu.memory_space<semaphore_mem>>
      %dma_start3A = arith.constant 0 : i32
      %dma_start3A_33 = arith.constant 0 : i32
      %dma_start3A_34 = tpu.memref_slice %arg3[%add3A_13, %dma_start3A, %dma_start3A_33] : memref<32x40x128xi32, #tpu.memory_space<hbm>> -> memref<1x40x128xi32, #tpu.memory_space<hbm>>
      %dma_start3A_35 = tpu.memref_squeeze %dma_start3A_34 : memref<1x40x128xi32, #tpu.memory_space<hbm>> -> memref<40x128xi32, #tpu.memory_space<hbm>>
      %dma_start3A_36 = arith.constant 0 : i32
      %dma_start3A_37 = arith.constant 0 : i32
      %dma_start3A_38 = tpu.memref_slice %arg3[%add3A_13, %dma_start3A_36, %dma_start3A_37] : memref<32x40x128xi32, #tpu.memory_space<hbm>> -> memref<1x40x128xi32, #tpu.memory_space<hbm>>
      %dma_start3A_39 = tpu.memref_squeeze %dma_start3A_38 : memref<1x40x128xi32, #tpu.memory_space<hbm>> -> memref<40x128xi32, #tpu.memory_space<hbm>>
      tpu.enqueue_dma source(%dma_start3A_39 : memref<40x128xi32, #tpu.memory_space<hbm>>) target(%arg7 : memref<40x128xi32, #tpu.memory_space<vmem>>) target_semaphore(%run_scoped3A : memref<!tpu.dma_semaphore, #tpu.memory_space<semaphore_mem>>)
      %dma_wait3A = arith.constant 0 : i32
      %dma_wait3A_40 = arith.constant 0 : i32
      %dma_wait3A_41 = tpu.memref_slice %arg3[%add3A_13, %dma_wait3A, %dma_wait3A_40] : memref<32x40x128xi32, #tpu.memory_space<hbm>> -> memref<1x40x128xi32, #tpu.memory_space<hbm>>
      %dma_wait3A_42 = tpu.memref_squeeze %dma_wait3A_41 : memref<1x40x128xi32, #tpu.memory_space<hbm>> -> memref<40x128xi32, #tpu.memory_space<hbm>>
      %dma_wait3A_43 = arith.constant 0 : i32
      %dma_wait3A_44 = arith.constant 0 : i32
      %dma_wait3A_45 = tpu.memref_slice %arg3[%add3A_13, %dma_wait3A_43, %dma_wait3A_44] : memref<32x40x128xi32, #tpu.memory_space<hbm>> -> memref<1x40x128xi32, #tpu.memory_space<hbm>>
      %dma_wait3A_46 = tpu.memref_squeeze %dma_wait3A_45 : memref<1x40x128xi32, #tpu.memory_space<hbm>> -> memref<40x128xi32, #tpu.memory_space<hbm>>
      tpu.wait_dma2 semaphore(%run_scoped3A : memref<!tpu.dma_semaphore, #tpu.memory_space<semaphore_mem>>) src(%dma_wait3A_46 : memref<40x128xi32, #tpu.memory_space<hbm>>) dst(%arg7 : memref<40x128xi32, #tpu.memory_space<vmem>>)
      tpu.yield
    }) : () -> ()
    "tpu.region"() ({
      %run_scoped3A = tpu.sem_alloc : memref<!tpu.dma_semaphore, #tpu.memory_space<semaphore_mem>>
      %dma_start3A = arith.constant 0 : i32
      %dma_start3A_33 = tpu.memref_slice %arg2[%mul3A_2, %dma_start3A] : memref<163840x16xf32, #tpu.memory_space<hbm>> -> memref<5120x16xf32, #tpu.memory_space<hbm>>
      %dma_start3A_34 = arith.constant 0 : i32
      %dma_start3A_35 = tpu.memref_slice %arg2[%mul3A_2, %dma_start3A_34] : memref<163840x16xf32, #tpu.memory_space<hbm>> -> memref<5120x16xf32, #tpu.memory_space<hbm>>
      tpu.enqueue_dma source(%dma_start3A_35 : memref<5120x16xf32, #tpu.memory_space<hbm>>) target(%arg8 : memref<5120x16xf32, #tpu.memory_space<vmem>>) target_semaphore(%run_scoped3A : memref<!tpu.dma_semaphore, #tpu.memory_space<semaphore_mem>>)
      %dma_wait3A = arith.constant 0 : i32
      %dma_wait3A_36 = tpu.memref_slice %arg2[%mul3A_2, %dma_wait3A] : memref<163840x16xf32, #tpu.memory_space<hbm>> -> memref<5120x16xf32, #tpu.memory_space<hbm>>
      %dma_wait3A_37 = arith.constant 0 : i32
      %dma_wait3A_38 = tpu.memref_slice %arg2[%mul3A_2, %dma_wait3A_37] : memref<163840x16xf32, #tpu.memory_space<hbm>> -> memref<5120x16xf32, #tpu.memory_space<hbm>>
      tpu.wait_dma2 semaphore(%run_scoped3A : memref<!tpu.dma_semaphore, #tpu.memory_space<semaphore_mem>>) src(%dma_wait3A_38 : memref<5120x16xf32, #tpu.memory_space<hbm>>) dst(%arg8 : memref<5120x16xf32, #tpu.memory_space<vmem>>)
      tpu.yield
    }) : () -> ()
    %scan3A_14 = arith.constant 0 : i32
    %scan3A_15 = arith.constant 0 : i32
    %scan3A_16 = arith.constant 40 : i32
    %scan3A_17 = arith.addi %scan3A_15, %scan3A_16 : i32
    %scan3A_18 = arith.constant 1 : i32
    %scan3A_19 = scf.for %scan3A_33 = %scan3A_15 to %scan3A_17 step %scan3A_18 iter_args(%scan3A_34 = %scan3A_14) -> (i32)  : i32 {
      %mul3A_35 = arith.constant 128 : i32
      %mul3A_36 = arith.muli %scan3A_33, %mul3A_35 : i32
      %dma_start3A = arith.constant 0 : i32
      %dma_start3A_37 = tpu.memref_slice %arg8[%mul3A_36, %dma_start3A] : memref<5120x16xf32, #tpu.memory_space<vmem>> -> memref<128x16xf32, #tpu.memory_space<vmem>>
      %dma_start3A_38 = arith.constant 0 : i32
      %dma_start3A_39 = tpu.memref_slice %arg7[%scan3A_33, %dma_start3A_38] : memref<40x128xi32, #tpu.memory_space<vmem>> -> memref<1x128xi32, #tpu.memory_space<vmem>>
      %dma_start3A_40 = tpu.memref_squeeze %dma_start3A_39 : memref<1x128xi32, #tpu.memory_space<vmem>> -> memref<128xi32, #tpu.memory_space<vmem>>
      %dma_start3A_41 = arith.constant 0 : i32
      %dma_start3A_42 = arith.constant 0 : i32
      %dma_start3A_43 = tpu.memref_slice %arg5[%dma_start3A_41, %dma_start3A_42] : memref<10112x16xf32, #tpu.memory_space<vmem_shared>> -> memref<10112x16xf32, #tpu.memory_space<vmem_shared>>
      tpu.enqueue_indirect_dma source(%dma_start3A_37 : memref<128x16xf32, #tpu.memory_space<vmem>>) target(%dma_start3A_43 : memref<10112x16xf32, #tpu.memory_space<vmem_shared>>) offsets(%dma_start3A_40 : memref<128xi32, #tpu.memory_space<vmem>>) semaphore(%arg9 : memref<!tpu.dma_semaphore, #tpu.memory_space<semaphore_mem>>) {add = true}
      %scan3A_44 = arith.constant 0 : i32
      scf.yield %scan3A_44 : i32
    }
    %scan3A_20 = arith.constant 40 : i32
    %scan3A_21 = arith.constant 0 : i32
    %scan3A_22 = arith.constant 0 : i32
    %scan3A_23 = arith.constant 40 : i32
    %scan3A_24 = arith.addi %scan3A_22, %scan3A_23 : i32
    %scan3A_25 = arith.constant 1 : i32
    %scan3A_26 = scf.for %scan3A_33 = %scan3A_22 to %scan3A_24 step %scan3A_25 iter_args(%scan3A_34 = %scan3A_21) -> (i32)  : i32 {
      %mul3A_35 = arith.constant 128 : i32
      %mul3A_36 = arith.muli %scan3A_33, %mul3A_35 : i32
      %dma_wait3A = arith.constant 0 : i32
      %dma_wait3A_37 = tpu.memref_slice %arg8[%mul3A_36, %dma_wait3A] : memref<5120x16xf32, #tpu.memory_space<vmem>> -> memref<128x16xf32, #tpu.memory_space<vmem>>
      %dma_wait3A_38 = arith.constant 0 : i32
      %dma_wait3A_39 = tpu.memref_slice %arg7[%scan3A_33, %dma_wait3A_38] : memref<40x128xi32, #tpu.memory_space<vmem>> -> memref<1x128xi32, #tpu.memory_space<vmem>>
      %dma_wait3A_40 = tpu.memref_squeeze %dma_wait3A_39 : memref<1x128xi32, #tpu.memory_space<vmem>> -> memref<128xi32, #tpu.memory_space<vmem>>
      %dma_wait3A_41 = arith.constant 0 : i32
      %dma_wait3A_42 = arith.constant 0 : i32
      %dma_wait3A_43 = tpu.memref_slice %arg5[%dma_wait3A_41, %dma_wait3A_42] : memref<10112x16xf32, #tpu.memory_space<vmem_shared>> -> memref<10112x16xf32, #tpu.memory_space<vmem_shared>>
      tpu.wait_indirect_dma semaphore(%arg9 : memref<!tpu.dma_semaphore, #tpu.memory_space<semaphore_mem>>) src(%dma_wait3A_37 : memref<128x16xf32, #tpu.memory_space<vmem>>) dst(%dma_wait3A_43 : memref<10112x16xf32, #tpu.memory_space<vmem_shared>>)
      %scan3A_44 = arith.constant 0 : i32
      scf.yield %scan3A_44 : i32
    }
    %scan3A_27 = arith.constant 40 : i32
    %barrier3A_28 = arith.constant 0 : index
    tpu.barrier barrier_id(%barrier3A_28)
    %mul3A_29 = arith.constant 632 : i32
    %mul3A_30 = arith.muli %arg1, %mul3A_29 : i32
    %mul3A_31 = arith.constant 632 : i32
    %mul3A_32 = arith.muli %arg1, %mul3A_31 : i32
    "tpu.region"() ({
      %run_scoped3A = tpu.sem_alloc : memref<!tpu.dma_semaphore, #tpu.memory_space<semaphore_mem>>
      %dma_start3A = arith.constant 0 : i32
      %dma_start3A_33 = tpu.memref_slice %arg4[%arg0, %mul3A_32, %dma_start3A] : memref<2x10112x16xf32, #tpu.memory_space<hbm>> -> memref<1x632x16xf32, #tpu.memory_space<hbm>>
      %dma_start3A_34 = tpu.memref_squeeze %dma_start3A_33 : memref<1x632x16xf32, #tpu.memory_space<hbm>> -> memref<632x16xf32, #tpu.memory_space<hbm>>
      %dma_start3A_35 = arith.constant 0 : i32
      %dma_start3A_36 = tpu.memref_slice %arg5[%mul3A_30, %dma_start3A_35] : memref<10112x16xf32, #tpu.memory_space<vmem_shared>> -> memref<632x16xf32, #tpu.memory_space<vmem_shared>>
      tpu.enqueue_dma source(%dma_start3A_36 : memref<632x16xf32, #tpu.memory_space<vmem_shared>>) target(%dma_start3A_34 : memref<632x16xf32, #tpu.memory_space<hbm>>) target_semaphore(%run_scoped3A : memref<!tpu.dma_semaphore, #tpu.memory_space<semaphore_mem>>)
      %dma_wait3A = arith.constant 0 : i32
      %dma_wait3A_37 = tpu.memref_slice %arg4[%arg0, %mul3A_32, %dma_wait3A] : memref<2x10112x16xf32, #tpu.memory_space<hbm>> -> memref<1x632x16xf32, #tpu.memory_space<hbm>>
      %dma_wait3A_38 = tpu.memref_squeeze %dma_wait3A_37 : memref<1x632x16xf32, #tpu.memory_space<hbm>> -> memref<632x16xf32, #tpu.memory_space<hbm>>
      %dma_wait3A_39 = arith.constant 0 : i32
      %dma_wait3A_40 = tpu.memref_slice %arg5[%mul3A_30, %dma_wait3A_39] : memref<10112x16xf32, #tpu.memory_space<vmem_shared>> -> memref<632x16xf32, #tpu.memory_space<vmem_shared>>
      tpu.wait_dma2 semaphore(%run_scoped3A : memref<!tpu.dma_semaphore, #tpu.memory_space<semaphore_mem>>) src(%dma_wait3A_40 : memref<632x16xf32, #tpu.memory_space<vmem_shared>>) dst(%dma_wait3A_38 : memref<632x16xf32, #tpu.memory_space<hbm>>)
      tpu.yield
    }) : () -> ()
    return
  }
}

</mosaic_0001>

<sc_bundles>
// kernel: _sc_scatter.3.cloned.1.call-start
scs
__scs_entry_jumppad:
0x0: {  	(pc) =	sbr.rel $0x88, $3  }
0x1: {  	(tag) =	ssettag $0x0;
	lr =	simm.s32 $0x1  }
0x2: {  	[smem:$0x3F9F] =	sst lr;
	_ =	strace $0xD0000000  }
0x3: {  	_ = 	snop  }
0x4: {  	_ = 	snop  }
0x5: {  	_ = 	snop  }
0x6: {  	_ = 	snop  }
0x7: {  	_ = 	snop  }
__scs_overlays_trampoline_lowered:
0x8: {  	[smem:$0x3FAE] =	sst s0  }
0x9: {  	[smem:$0x3FAF] =	sst s1  }
0xa: {  	[smem:$0x3FB0] =	sst s2  }
0xb: {  	[smem:$0x3FB1] =	sst s3  }
0xc: {  	[smem:$0x3FB2] =	sst s4  }
0xd: {  	[smem:$0x3FB3] =	sst s5  }
0xe: {  	[smem:$0x3FB4] =	sst s6  }
0xf: {  	[smem:$0x3FB5] =	sst s7  }
0x10: {  	[smem:$0x3FB6] =	sst s8  }
0x11: {  	[smem:$0x3FB7] =	sst s9;
	s0 =	simm.s32 @!p0 $0x0  }
0x12: {  	s1 =	sld [smem:$0x3F9D];
	s0 =	simm.s32 @p0 $0x1  }
0x13: {  	[smem:$0x3FB8] =	sst s0;
	s0 =	simm.s32 @!p1 $0x0  }
0x14: {  	s2 =	sld [smem:$0x3F9C];
	s0 =	simm.s32 @p1 $0x1  }
0x15: {  	[smem:$0x3FB9] =	sst s0;
	s0 =	simm.s32 @!p2 $0x0  }
0x16: {  	s3 =	sld [smem:$0x3FDB];
	s0 =	simm.s32 @p2 $0x1  }
0x17: {  	s4 =	simm.s32 $0x1BF5;
	[smem:$0x3FBB] =	sst s0  }
0x18: {  	s0 =	sld [smem:$0x3F9E];
	_ =	swait.ge [sflag:s4], $0x0  }
0x19: {  	s7 =	sld [smem:$0x3F9F]  }
0x1a: {  	s8 =	sadd.s32 $0xFFFFE003, lr  }
0x1b: {  	s9 =	sadd.s32 $0xFFFFFEF7, lr;
	s5 =	simm.s32 $0xFFFFFFFF;
	p2 =	slt.u32 s8, $0xFFFFF086  }
0x1c: {  	p1 =	slt.u32 s9, $0xF7A;
	s5 =	simm.s32 @!p2 $0x0  }
0x1d: {  	s5 =	simm.s32 @p1 $0x1;
	p0 =	seq.s32 s7, s2  }
0x1e: {  	s7 =	smul.u32 @!p0 $0xF7A, s2;
	p2 =	seq.s32 @!p0 s5, $0x0  }
0x1f: {  	s9 =	smul.u32 $0xF7A, s1;
	s8 =	simm.s32 @!p0 $0x1BF5;
	p2 =	por !p2, p0  }
0x20: {  	[sflag:s8] =	ssyncset.s32 @!p0 $0xFFFFF086;
	s6 =	sadd.s32 @!p0 s3, s7;
	s7 =	simm.s32 @!p0 $0x108  }
0x21: {  	s3 =	sadd.s32 s3, s9;
	s6 =	sadd.s32 @!p0 $0x88, s6;
	s7 =	simm.s32 @p2 $0x1082  }
0x22: {  	[simem:s7], [sflag:s8] =	dma.local @!p0 [hbm:s6], $0xF7A  }
0x23: {  	s9 =	sor.u32 $0xD0000000, s2;
	s6 =	simm.s32 $0x108;
	_ =	swait.ge @!p0 [sflag:s8], $0x0  }
0x24: {  	s3 =	sadd.s32 $0x88, s3;
	s6 =	simm.s32 @!p1 $0x1082;
	[sflag:s4] =	ssyncset.s32 $0xFFFFF086  }
0x25: {  	[simem:s6], [sflag:s4] =	dma.local [hbm:s3], $0xF7A  }
0x26: {  	[smem:$0x3F9F] =	sst s1;
	(tag) =	ssettag s2;
	_ =	strace s9  }
0x27: {  	s1 =	sld [smem:$0x3FAF]  }
0x28: {  	s2 =	sld [smem:$0x3FB0]  }
0x29: {  	s4 =	sld [smem:$0x3FB2]  }
0x2a: {  	p0 =	seq.s32 s5, $0x0;
	s5 =	sld [smem:$0x3FB3]  }
0x2b: {  	s6 =	sld [smem:$0x3FB4]  }
0x2c: {  	s7 =	sld [smem:$0x3FB5]  }
0x2d: {  	s3 =	simm.s32 $0x108;
	s8 =	sld [smem:$0x3FB6]  }
0x2e: {  	s3 =	simm.s32 @!p0 $0x1082;
	s9 =	sld [smem:$0x3FB7]  }
0x2f: {  	lr =	sadd.s32 s0, s3;
	s0 =	sld [smem:$0x3FAE]  }
0x30: {  	s3 =	sld [smem:$0x3FB1]  }
0x31: {  	[smem:$0x3FBA] =	sst s10  }
0x32: {  	s10 =	sld [smem:$0x3FB8];
	_ =	sdelay $0x3  }
0x33: {  	p0 =	seq.s32 s10, $0x1;
	s10 =	sld [smem:$0x3FBA];
	_ =	sdelay $0x3  }
0x34: {  	[smem:$0x3FBA] =	sst s10  }
0x35: {  	s10 =	sld [smem:$0x3FB9];
	_ =	sdelay $0x3  }
0x36: {  	p1 =	seq.s32 s10, $0x1;
	s10 =	sld [smem:$0x3FBA];
	_ =	sdelay $0x3  }
0x37: {  	[smem:$0x3FBA] =	sst s10  }
0x38: {  	s10 =	sld [smem:$0x3FBB]  }
0x39: {  	_ = 	snop;
	(pc) =	sbr.ind lr, $3  }
0x3a: {  	_ = 	snop  }
0x3b: {  	_ = 	snop  }
0x3c: {  	p2 =	seq.s32 s10, $0x1;
	s10 =	sld [smem:$0x3FBA]  }
0x3d: {  	_ =	shalt  }
0x3e: {  	_ =	shalt  }
0x3f: {  	_ =	shalt  }
0x40: {  	_ =	shalt  }
0x41: {  	_ =	shalt  }
0x42: {  	_ =	shalt  }
0x43: {  	_ =	shalt  }
0x44: {  	_ =	shalt  }
0x45: {  	_ =	shalt  }
0x46: {  	_ =	shalt  }
0x47: {  	_ =	shalt  }
0x48: {  	_ =	shalt  }
0x49: {  	_ =	shalt  }
0x4a: {  	_ =	shalt  }
0x4b: {  	_ =	shalt  }
0x4c: {  	_ =	shalt  }
0x4d: {  	_ =	shalt  }
0x4e: {  	_ =	shalt  }
0x4f: {  	_ =	shalt  }
0x50: {  	_ =	shalt  }
0x51: {  	_ =	shalt  }
0x52: {  	_ =	shalt  }
0x53: {  	_ =	shalt  }
0x54: {  	_ =	shalt  }
0x55: {  	_ =	shalt  }
0x56: {  	_ =	shalt  }
0x57: {  	_ =	shalt  }
0x58: {  	_ =	shalt  }
0x59: {  	_ =	shalt  }
0x5a: {  	_ =	shalt  }
0x5b: {  	_ =	shalt  }
0x5c: {  	_ =	shalt  }
0x5d: {  	_ =	shalt  }
0x5e: {  	_ =	shalt  }
0x5f: {  	_ =	shalt  }
0x60: {  	_ =	shalt  }
0x61: {  	_ =	shalt  }
0x62: {  	_ =	shalt  }
0x63: {  	_ =	shalt  }
0x64: {  	_ =	shalt  }
0x65: {  	_ =	shalt  }
0x66: {  	_ =	shalt  }
0x67: {  	_ =	shalt  }
0x68: {  	_ =	shalt  }
0x69: {  	_ =	shalt  }
0x6a: {  	_ =	shalt  }
0x6b: {  	_ =	shalt  }
0x6c: {  	_ =	shalt  }
0x6d: {  	_ =	shalt  }
0x6e: {  	_ =	shalt  }
0x6f: {  	_ =	shalt  }
0x70: {  	_ =	shalt  }
0x71: {  	_ =	shalt  }
0x72: {  	_ =	shalt  }
0x73: {  	_ =	shalt  }
0x74: {  	_ =	shalt  }
0x75: {  	_ =	shalt  }
0x76: {  	_ =	shalt  }
0x77: {  	_ =	shalt  }
0x78: {  	_ =	shalt  }
0x79: {  	_ =	shalt  }
0x7a: {  	_ =	shalt  }
0x7b: {  	_ =	shalt  }
0x7c: {  	_ =	shalt  }
0x7d: {  	_ =	shalt  }
0x7e: {  	_ =	shalt  }
0x7f: {  	_ =	shalt  }
0x80: {  	_ =	shalt  }
0x81: {  	_ =	shalt  }
0x82: {  	_ =	shalt  }
0x83: {  	_ =	shalt  }
0x84: {  	_ =	shalt  }
0x85: {  	_ =	shalt  }
0x86: {  	_ =	shalt  }
0x87: {  	_ =	shalt  }
.Lfunc_end0:
.L_simem_size_0:
called_computation_lowered:
.L_overlay_start_0:
0x88: {  	s2 =	sld [smem:$0x3FD9]  }
0x89: {  	s3 =	sld [smem:$0x3FFE];
	_ =	sdelay $0x1  }
0x8a: {  	s1 =	srdreg.scid  }
0x8b: {  	s0 =	sand.u32 $0x1, s1  }
0x8c: {  	s17 =	sshll.u32 s0, $0xA;
	s2 =	sadd.s32 s3, s2  }
0x8d: {  	s2 =	sadd.s32 s2, s17  }
0x8e: {  	[smem:$0x3FC6] =	sst s2  }
0x8f: {  	_ = 	snop  }
0x90: {  	s2 =	sld [smem:$0x3FC8]  }
0x91: {  	s18 =	sld [smem:$0x3FD0];
	(tm) =	ssettm $0x1  }
0x92: {  	s4 =	sld [smem:$0x3FFB];
	_ =	sdelay $0x3  }
0x93: {  	_ =	strace s4  }
0x94: {  	s4 =	sld [smem:$0x3FFC];
	_ =	sdelay $0x3  }
0x95: {  	_ =	strace s4  }
0x96: {  	s4 =	sld [smem:$0x3FFD];
	_ =	sdelay $0x3  }
0x97: {  	_ =	strace s4  }
0x98: {  	_ =	strace $0x8FFFFFFF  }
0x99: {  	s19 =	sld [smem:$0x3FDB];
	_ =	sdelay $0x1  }
0x9a: {  	s5 =	simm.s32 $_scs_section_size  }
0x9b: {  	s6 =	simm.s32 $_size__tile_overlayer_lowered;
	s7 =	simm.s32 $_tile_overlayer_lowered  }
0x9c: {  	s22 =	simm.s32 $0x1BFF;
	s21 =	sshll.u32 s7, $0x1;
	s4 =	sadd.s32 s5, s19  }
0x9d: {  	s8 =	simm.s32 $0x0;
	s20 =	sshll.u32 s6, $0x1;
	s6 =	sadd.s32 s21, s4  }
0x9e: {  	[timem:s8], [sflag:s22] =	dma.local [hbm:s6], s20  }
0x9f: {  	_ =	swait.ge [sflag:s22], s20  }
0xa0: {  	s5 =	ssub.s32 $0x0, s20;
	[sflag:s22] =	ssyncset.done $0x0  }
0xa1: {  	[sflag:s22] =	ssyncadd.s32 s5;
	_ =	sdelay $0x1  }
0xa2: {  	s23 =	simm.s32 $0x1B8B  }
0xa3: {  	_ =	swait.ge [sflag:s23], $0x1  }
0xa4: {  	[sflag:s23] =	ssyncset.done $0x0  }
0xa5: {  	s25 =	simm.s32 $0x1B8E;
	s24 =	sld [smem:$0x3FFE];
	[sflag:s23] =	ssyncadd.s32 $0xFFFFFFFF  }
0xa6: {  	s26 =	simm.s32 $execute0_lowered;
	[smem:$0x3FD2] =	sst s25  }
0xa7: {  	s6 =	sshll.u32 s26, $0x1;
	_ =	strace $0x80000046;
	[dreg:$0x1] =	wrdreg $0xFFFFFFFF  }
0xa8: {  	s28 =	simm.s32 $_size_execute0_lowered;
	s4 =	sadd.s32 s4, s6;
	[dreg:$0x0] =	wrdreg $0x0  }
0xa9: {  	s6 =	sshll.u32 s28, $0x1;
	[dreg:$0x2] =	wrdreg s4  }
0xaa: {  	[dreg:$0x3] =	wrdreg s6  }
0xab: {  	[dreg:$0x4] =	wrdreg $0xC0  }
0xac: {  	_ =	task [dreg:s8], $0x5FFFF  }
0xad: {  	[dreg:$0x1] =	wrdreg $0xFFFFFFFF  }
0xae: {  	[dreg:$0x0] =	wrdreg $0x60  }
0xaf: {  	[dreg:$0x2] =	wrdreg s24  }
0xb0: {  	[dreg:$0x3] =	wrdreg s2  }
0xb1: {  	[dreg:$0x4] =	wrdreg s18  }
0xb2: {  	[dreg:$0x5] =	wrdreg $0x0  }
0xb3: {  	[dreg:$0x6] =	wrdreg $0x9  }
0xb4: {  	_ =	task.clear_ibuf [dreg:s8], $0x7FFFF;
	_ =	strace $0x90000046  }
0xb5: {  	s29 =	simm.s32 $0x9;
	_ =	strace $0x80000048  }
0xb6: {  	_ =	swait.ge [sflag:s29], $0x1  }
0xb7: {  	[sflag:s29] =	ssyncadd.s32 $0xFFFFFFFF  }
0xb8: {  	_ =	strace $0x90000048  }
0xb9: {  	_ =	sfence  }
0xba: {  	s30 =	sld [smem:$0x0];
	_ =	sdelay $0x2  }
0xbb: {  	s31 =	sshll.u32 s1, $0xD;
	s1 =	sshrl.u32 s1, $0x2  }
0xbc: {  	s3 =	sand.u32 $0x4000, s31;
	s1 =	sadd.s32 s1, s30  }
0xbd: {  	s0 =	sor.u32 s3, s0;
	s1 =	sshll.u32 s1, $0x11  }
0xbe: {  	s0 =	sor.u32 s1, s0  }
0xbf: {  	s0 =	sadd.s32 $0x8F2B, s0  }
0xc0: {  	[sflag:s0] =	ssyncadd.remote.s32 $0x1  }
0xc1: {  	_ =	sfence.sel $0xFFFF  }
0xc2: {  	[dreg:$0x0] =	wrdreg $0xFFFFFFFF;
	(pc) =	sbr.abs _section_cstart, $3  }
0xc3: {  	[dreg:$0x1] =	wrdreg $0xFFFFFFFF  }
0xc4: {  	_ =	task.clear_ibuf [dreg:s8], $0x2FFFF;
	_ =	strace $0x9FFFFFFF  }
0xc5: {  	(tm) =	ssettm $0x7FFFFFFF  }
tec
execute0_lowered:
.L_overlay_start_1:
0x0: {  	(tag) =	ssettag $0x1  }
0x1: {  	s4 =	rddreg [dreg:$0x0]  }
0x2: {  	s6 =	rddreg [dreg:$0x1]  }
0x3: {  	s7 =	rddreg [dreg:$0x2]  }
0x4: {  	s0 =	srdreg.scid;
	s2 =	rddreg [dreg:$0x3];
	s3 =	simm.s32 $0x0  }
0x5: {  	s13 =	simm.s32 $0x1;
	s5 =	sand.u32 $0x1, s0;
	s0 =	stileid.u32  }
0x6: {  	[smem:$0x7FF] =	sst s3;
	s1 =	sshll.u32 s5, $0x4;
	s10 =	smul.u32 $0x2780, s0  }
0x7: {  	s11 =	smul.u32 $0x27800, s5;
	s30 =	ssub.s32 $0x2, s5;
	s14 =	sshll.u32 s0, $0x6  }
0x8: {  	s8 =	sor.u32 s0, s1;
	s1 =	rddreg [dreg:$0x4];
	_ =	strace $0x80000047  }
0x9: {  	s5 =	sshrl.u32 s30, $0x1;
	s14 =	sor.u32 $0x1C02, s14;
	s9 =	smul.u32 $0x2800, s8  }
0xa: {  	s8 =	smul.u32 $0x280, s8;
	s11 =	sadd.s32 s10, s11;
	s12 =	ssub.s32 s30, s5  }
0xb: {  	s31 =	sshrl.u32 s11, $0x3;
	s11 =	simm.s32 $0x4F00;
	s9 =	sadd.s32 s9, s4  }
0xc: {  	s4 =	sadd.s32 s10, s2;
	s5 =	sadd.s32 s6, s8;
	s7 =	sadd.s32 s7, s31  }
0xd: {  	s8 =	smax.u32 s12, $0x1;
	s10 =	simm.s32 $0x2;
	s12 =	simm.s32 $0x80  }
0xe: {  	v0 =	vimm.f32 $0.0e+00;
	s6 =	sadd.s32 $0x280400, s9;
	s9 =	simm.s32 $0x2780;
	s15 =	sshrl.u32 s4, $0x3  }
.LBB2_1:
0xf: {  	s16 =	simm.s32 $0x40;
	s17 =	simm.s32 $0x0  }
.LBB2_2:
0x10: {  	p0 =	sne.s32 s16, $0x9DC0;
	[tilespmem:s17+$0x2780] =	vst v0;
	s17 =	smov.u32 s16;
	s16 =	sadd.s32 $0x40, s16  }
.Ltmp0:
0x11: {  	(pc) =	sbr.rel @p0 .LBB2_2-.Ltmp0, $2  }
0x12: {  	_ =	sdelay $0x2  }
0x13: {  	s17 =	sshra.s32 s17, $0x2  }
0x14: {  	[tilespmem:s17+$0x2780] =	vst v0  }
0x15: {  	[spmem:s4] =	stream.linear.scatter [tilespmem:s9], [sflag:$0x2], $0x2780, $0x38;
	[tilespmem:$0x1A300] =	vst v63  }
0x16: {  	_ =	swait.ge [sflag:s10], $0x2780  }
0x17: {  	[sflag:s10] =	ssyncset.done $0x0  }
0x18: {  	[sflag:s10] =	ssyncadd.s32 $0xFFFFD880  }
0x19: {  	s16 =	simm.s32 $0x0;
	[bflag:$0x0] =	sbarrier.arrive $0xFFFF  }
0x1a: {  	[tilespmem:s11], [sflag:$0x2] =	stream.linear.gather [hbm4b:s5+s16], $0x1400, $0x38;
	[tilespmem:$0x1A300] =	vst v63  }
0x1b: {  	_ =	swait.ge [sflag:s10], $0x1400  }
0x1c: {  	[sflag:s10] =	ssyncset.done $0x0  }
0x1d: {  	s17 =	simm.s32 $0x6300;
	[sflag:s10] =	ssyncadd.s32 $0xFFFFEC00  }
0x1e: {  	[tilespmem:s17], [sflag:$0x2] =	stream.linear.gather [hbm4b:s6+s16], $0x14000, $0x38;
	[tilespmem:$0x1A300] =	vst v63  }
0x1f: {  	_ =	swait.ge [sflag:s10], $0x14000  }
0x20: {  	[sflag:s10] =	ssyncset.done $0x0  }
0x21: {  	[sflag:s10] =	ssyncadd.s32 $0xFFFEC000  }
.LBB2_4:
0x22: {  	p0 =	sne.s32 s16, $0x4E00  }
.Ltmp1:
0x23: {  	_ = 	snop;
	(pc) =	sbr.rel @p0 .LBB2_4-.Ltmp1, $4  }
0x24: {  	s18 =	sshra.s32 s16, $0x2  }
0x25: {  	s18 =	sadd.s32 $0x4F00, s18  }
0x26: {  	[spmem:s2] =	stream.indirect.scatter.add.f32 [tilespmem:s17], [sflag:$0x1], $0x10, s18, s12, $0xb8;
	[tilespmem:$0x1A300] =	vst v63  }
0x27: {  	s16 =	sadd.s32 $0x200, s16;
	s17 =	sadd.s32 $0x800, s17  }
0x28: {  	_ =	swait.ge [sflag:s13], $0x800  }
0x29: {  	s16 =	simm.s32 $0x27;
	[sflag:s13] =	ssyncset.done $0x0  }
.LBB2_6:
0x2a: {  	p0 =	sne.s32 s16, $0x1;
	s16 =	sadd.s32 $0xFFFFFFFF, s16;
	[sflag:s13] =	ssyncadd.s32 $0xFFFFF800  }
.Ltmp2:
0x2b: {  	(pc) =	sbr.rel @p0 .LBB2_6-.Ltmp2, $3  }
0x2c: {  	_ =	sdelay $0x1  }
0x2d: {  	_ =	swait.ge [sflag:s13], $0x800  }
0x2e: {  	[sflag:s13] =	ssyncset.done $0x0  }
0x2f: {  	s3 =	sadd.s32 $0x1, s3  }
0x30: {  	[sflag:s13] =	ssyncadd.s32 $0xFFFFF800;
	p0 =	sne.s32 s3, s8  }
.Ltmp3:
0x31: {  	[bflag:$0x0] =	sbarrier.arrive $0xFFFF;
	(pc) =	sbr.rel @p0 .LBB2_1-.Ltmp3, $4  }
0x32: {  	[hbm:s7], [sflag:s14] =	dma.local [spmem:s15], $0x4F0  }
0x33: {  	_ =	swait.ge [sflag:s10], $0x4F0  }
0x34: {  	[sflag:s10] =	ssyncset.done $0x0  }
0x35: {  	[sflag:s10] =	ssyncadd.s32 $0xFFFFFB10  }
0x36: {  	_ =	sfence.sel $0x180000  }
0x37: {  	[bflag:$0x0] =	sbarrier.arrive $0xFFFF  }
0x38: {  	p0 =	sne.s32 s0, $0x0;
	_ =	strace $0x90000047  }
0x39: {  	s0 =	sadd.s32 @!p0 $0x100000, s1;
	[bflag:$0x2] =	sbarrier.arrive $0xFFFF  }
0x3a: {  	[sflag:s0] =	ssyncadd.tile.s32 @!p0 $0x1;
	_ =	shalt  }
.Lfunc_end2:
_tile_overlayer_lowered:
.L_overlay_start_2:
0x3b: {  	(tag) =	ssettag $0x2  }
0x3c: {  	s0 =	rddreg [dreg:$0x0];
	s2 =	stileid.u32  }
0x3d: {  	s1 =	rddreg [dreg:$0x1];
	p0 =	sne.s32 s2, $0x0  }
0x3e: {  	s3 =	rddreg [dreg:$0x2];
	[bflag:$0x3] =	sbarrier.arrive $0xFFFF;
	s2 =	simm.s32 @!p0 $0x1C02  }
0x3f: {  	[timem:s3], [sflag:s2] =	dma.local @!p0 [hbm:s0], s1  }
0x40: {  	s0 =	simm.s32 @!p0 $0x2  }
0x41: {  	_ =	swait.ge @!p0 [sflag:s0], s1  }
0x42: {  	s1 =	ssub.s32 @!p0 $0x0, s1;
	[sflag:s0] =	ssyncset.done @!p0 $0x0  }
0x43: {  	[sflag:s0] =	ssyncadd.s32 @!p0 s1  }
0x44: {  	[bflag:$0x3] =	sbarrier.arrive $0xFFFF  }
0x45: {  	_ =	shalt  }

</sc_bundles>
